<compile_context>
chip_gen: v7x
topology: tpu7x:2x2x1
jax: 0.10.2.dev20260603
libtpu: 0.0.44.dev20260713+nightly
codegen_flags: <defaults>
</compile_context>

<pallas_src>
import jax
import jax.numpy as jnp
from jax import lax
from jax.experimental import pallas as pl
from jax.experimental.pallas import tpu as pltpu
from jax.experimental.pallas import tpu_sc as plsc

N = 10000
NP = 10240
NE = 160000
NEP = 163840
F = 128
D = 256
NMOL = 2000
NMOLP = 2048
BATCH = 4096
PADN = NP - 1
PADG = NMOLP - 1

NC = 2
NS = 16
L = 16

_mesh = plsc.VectorSubcoreMesh(core_axis_name="c", subcore_axis_name="s")
_params = pltpu.CompilerParams(needs_layout_passes=False)
f32 = jnp.float32
i32 = jnp.int32


def _pats():
    io = lax.iota(i32, L)
    pat2 = lax.shift_right_logical(io, 3)
    pat8 = lax.bitwise_and(io, 7)
    return pat2, pat8


def _zero_flat(acc, n):
    z = jnp.zeros((L,), f32)

    def body(i, _):
        acc[pl.ds(i * L, L)] = z
        return 0

    lax.fori_loop(0, n // L, body, 0)


def _deg_body(edges_hbm, out_hbm, edgebuf, cnt):
    c = lax.axis_index("c")
    s = lax.axis_index("s")

    def z(i, _):
        cnt[pl.ds(i * L, L)] = jnp.zeros((L,), f32)
        return 0

    lax.fori_loop(0, NP // L, z, 0)
    pltpu.sync_copy(edges_hbm.at[pl.ds(c * 1280 + s * 80, 80)], edgebuf)
    ones = jnp.full((L,), 1.0, f32)

    def body(r, _):
        for q in range(8):
            v = edgebuf[r, pl.ds(q * L, L)]
            plsc.addupdate_scatter(cnt, [v], ones)
        return 0

    lax.fori_loop(0, 80, body, 0)
    pltpu.sync_copy(cnt, out_hbm.at[pl.ds((c * NS + s) * NP, NP)])


@jax.jit
def _sc_degrees(edges2d):
    return pl.kernel(
        _deg_body,
        out_type=jax.ShapeDtypeStruct((32 * NP,), f32),
        mesh=_mesh,
        scratch_types=[
            pltpu.VMEM((80, 128), i32),
            pltpu.VMEM((NP,), f32),
        ],
        compiler_params=_params,
    )(edges2d)


def _hist_body(nft_ref, deg_ref, h_ref, norms_ref):
    degp = deg_ref[...]
    d_src = jnp.sum(degp[:NS], axis=0)
    d_dst = jnp.sum(degp[NS:], axis=0)
    ns = jnp.where(d_src > 0, lax.rsqrt(jnp.maximum(d_src, 1.0)), 0.0)
    nd = jnp.where(d_dst > 0, lax.rsqrt(jnp.maximum(d_dst, 1.0)), 0.0)
    norms_ref[...] = jnp.stack([ns, nd], axis=0)
    feat = nft_ref[...]
    io = lax.broadcasted_iota(i32, (F, feat.shape[1]), 0)
    acc = jnp.zeros((F, feat.shape[1]), f32)
    for j in range(10):
        acc = acc + (feat[j : j + 1, :] == io).astype(f32)
    h_ref[...] = acc * ns[None, :]


@jax.jit
def _tc_hist(nft, deg):
    blk = 2048
    return pl.pallas_call(
        _hist_body,
        grid=(NP // blk,),
        in_specs=[
            pl.BlockSpec((10, blk), lambda j: (0, j)),
            pl.BlockSpec((32, blk), lambda j: (0, j)),
        ],
        out_specs=[
            pl.BlockSpec((F, blk), lambda j: (0, j)),
            pl.BlockSpec((2, blk), lambda j: (0, j)),
        ],
        out_shape=[
            jax.ShapeDtypeStruct((F, NP), f32),
            jax.ShapeDtypeStruct((2, NP), f32),
        ],
    )(nft, deg)


def _accum_edges(src2d, dst2d, hsl, acc, srcb, dstb, sem0, sem1):
    sems = (sem0, sem1)

    def start(b, slot):
        pltpu.async_copy(src2d.at[pl.ds(b * 40, 40)], srcb.at[slot],
                         sems[slot])
        pltpu.async_copy(dst2d.at[pl.ds(b * 40, 40)], dstb.at[slot],
                         sems[slot])

    def drain(slot):
        pltpu.make_async_copy(src2d.at[pl.ds(0, 40)], srcb.at[slot],
                              sems[slot]).wait()
        pltpu.make_async_copy(dst2d.at[pl.ds(0, 40)], dstb.at[slot],
                              sems[slot]).wait()

    hviews = [hsl.at[pl.ds(k * SAG, NP)] for k in range(4)]
    aviews = [acc.at[pl.ds(k * SAG, NP)] for k in range(4)]

    def process(slot):
        def row(g, _):
            for i in range(8):
                se = srcb[slot, g, pl.ds(i * L, L)]
                de = dstb[slot, g, pl.ds(i * L, L)]
                for k in range(4):
                    val = plsc.load_gather(hviews[k], [se])
                    plsc.addupdate_scatter(aviews[k], [de], val)
            return 0

        lax.fori_loop(0, 40, row, 0)

    start(0, 0)

    def blk(i, _):
        start(2 * i + 1, 1)
        drain(0)
        process(0)

        @pl.when(i < 15)
        def _():
            start(2 * i + 2, 0)

        drain(1)
        process(1)
        return 0

    lax.fori_loop(0, 16, blk, 0)


SLW = 4 * NP
SAG = NP + 8
SBUFW = 4 * SAG


def _ldsl(hbm, buf, q):
    for k in range(4):
        pltpu.sync_copy(hbm.at[pl.ds((q * 4 + k) * NP, NP)],
                        buf.at[pl.ds(k * SAG, NP)])


def _stsl(buf, hbm, q):
    for k in range(4):
        pltpu.sync_copy(buf.at[pl.ds(k * SAG, NP)],
                        hbm.at[pl.ds((q * 4 + k) * NP, NP)])


def _agg1_body(hp, src2d, dst2d, out_hbm, hsl, acc, srcb, dstb, sem0, sem1):
    c = lax.axis_index("c")
    s = lax.axis_index("s")
    q = c * NS + s
    _ldsl(hp, hsl, q)
    _zero_flat(acc, SBUFW)
    _accum_edges(src2d, dst2d, hsl, acc, srcb, dstb, sem0, sem1)
    _stsl(acc, out_hbm, q)


@jax.jit
def _sc_agg1(hp, src2d, dst2d):
    return pl.kernel(
        _agg1_body,
        out_type=jax.ShapeDtypeStruct((32 * SLW,), f32),
        mesh=_mesh,
        scratch_types=[
            pltpu.VMEM((SBUFW,), f32),
            pltpu.VMEM((SBUFW,), f32),
            pltpu.VMEM((2, 40, 128), i32),
            pltpu.VMEM((2, 40, 128), i32),
            pltpu.SemaphoreType.DMA,
            pltpu.SemaphoreType.DMA,
        ],
        compiler_params=_params,
    )(hp, src2d, dst2d)


def _agg2_body(hp, src2d, dst2d, out_hbm, hsl, acc, srcb, dstb, sem0, sem1):
    c = lax.axis_index("c")
    s = lax.axis_index("s")
    q = c * NS + s
    for r in range(2):
        q2 = q + 32 * r
        _ldsl(hp, hsl, q2)
        _zero_flat(acc, SBUFW)
        _accum_edges(src2d, dst2d, hsl, acc, srcb, dstb, sem0, sem1)
        _stsl(acc, out_hbm, q2)


@jax.jit
def _sc_agg2(hp, src2d, dst2d):
    return pl.kernel(
        _agg2_body,
        out_type=jax.ShapeDtypeStruct((64 * SLW,), f32),
        mesh=_mesh,
        scratch_types=[
            pltpu.VMEM((SBUFW,), f32),
            pltpu.VMEM((SBUFW,), f32),
            pltpu.VMEM((2, 40, 128), i32),
            pltpu.VMEM((2, 40, 128), i32),
            pltpu.SemaphoreType.DMA,
            pltpu.SemaphoreType.DMA,
        ],
        compiler_params=_params,
    )(hp, src2d, dst2d)


def _l1_body(p_ref, norms_ref, w_ref, b_ref, out_ref):
    nm = norms_ref[...]
    agg = p_ref[...] * nm[1][None, :]
    x = lax.dot_general(
        w_ref[...], agg, (((0,), (0,)), ((), ())),
        preferred_element_type=f32,
    ) + b_ref[...].reshape(D, 1)
    out_ref[...] = jnp.maximum(x, 0.0) * nm[0][None, :]


@jax.jit
def _tc_l1(P, norms, W1, b1):
    blk = 1024
    return pl.pallas_call(
        _l1_body,
        grid=(NP // blk,),
        in_specs=[
            pl.BlockSpec((F, blk), lambda j: (0, j)),
            pl.BlockSpec((2, blk), lambda j: (0, j)),
            pl.BlockSpec((F, D), lambda j: (0, 0)),
            pl.BlockSpec((1, D), lambda j: (0, 0)),
        ],
        out_specs=pl.BlockSpec((D, blk), lambda j: (0, j)),
        out_shape=jax.ShapeDtypeStruct((D, NP), f32),
    )(P, norms, W1, b1)


def _l2_body(a_ref, norms_ref, w_ref, b_ref, h2_ref, s_ref):
    j = pl.program_id(0)
    nm = norms_ref[...]
    h2 = lax.dot_general(
        w_ref[...], a_ref[...] * nm[1][None, :], (((0,), (0,)), ((), ())),
        preferred_element_type=f32,
    ) + b_ref[...].reshape(D, 1)
    h2_ref[...] = h2
    rn = jnp.sqrt(jnp.sum(h2 * h2, axis=0))
    cols = j * h2.shape[1] + lax.broadcasted_iota(i32, rn.shape, 0)
    contrib = jnp.sum(jnp.where(cols < N, rn, 0.0))

    @pl.when(j == 0)
    def _():
        s_ref[...] = jnp.zeros((1, 1), f32)

    s_ref[...] += jnp.full((1, 1), 1.0, f32) * contrib


@jax.jit
def _tc_l2(A2, norms, W2, b2):
    blk = 1024
    return pl.pallas_call(
        _l2_body,
        grid=(NP // blk,),
        in_specs=[
            pl.BlockSpec((D, blk), lambda j: (0, j)),
            pl.BlockSpec((2, blk), lambda j: (0, j)),
            pl.BlockSpec((D, D), lambda j: (0, 0)),
            pl.BlockSpec((1, D), lambda j: (0, 0)),
        ],
        out_specs=[
            pl.BlockSpec((D, blk), lambda j: (0, j)),
            pl.BlockSpec((1, 1), lambda j: (0, 0)),
        ],
        out_shape=[
            jax.ShapeDtypeStruct((D, NP), f32),
            jax.ShapeDtypeStruct((1, 1), f32),
        ],
    )(A2, norms, W2, b2)


def _segsum_body(h2_hbm, gid_hbm, out_hbm, sbuf, gidb, acc):
    c = lax.axis_index("c")
    s = lax.axis_index("s")
    q = c * NS + s
    _zero_flat(acc, 8 * NMOLP)
    for k in range(8):
        pltpu.sync_copy(h2_hbm.at[pl.ds((q * 8 + k) * NP, NP)],
                        sbuf.at[pl.ds(k * SAG, NP)])
    pltpu.sync_copy(gid_hbm, gidb)
    pat2, pat8 = _pats()
    base = pat8 * SAG + pat2

    def body(jj, _):
        rv = pat2 + 2 * jj
        gv = plsc.load_gather(gidb, [rv])
        val = plsc.load_gather(sbuf, [base + 2 * jj])
        plsc.addupdate_scatter(acc, [gv * 8 + pat8], val)
        return 0

    lax.fori_loop(0, NP // 2, body, 0)
    pltpu.sync_copy(acc, out_hbm.at[pl.ds(q * 8 * NMOLP, 8 * NMOLP)])


@jax.jit
def _sc_segsum(h2t, gid1d):
    return pl.kernel(
        _segsum_body,
        out_type=jax.ShapeDtypeStruct((32 * 8 * NMOLP,), f32),
        mesh=_mesh,
        scratch_types=[
            pltpu.VMEM((8 * SAG,), f32),
            pltpu.VMEM((NP,), i32),
            pltpu.VMEM((8 * NMOLP,), f32),
        ],
        compiler_params=_params,
    )(h2t, gid1d)


def _combine_body(p_ref, s_ref, out_ref):
    factor = (16.0 * N) / s_ref[0, 0]
    out_ref[...] = p_ref[...] * factor


@jax.jit
def _tc_combine(embP, S):
    blk = 256
    return pl.pallas_call(
        _combine_body,
        grid=(NMOLP // blk,),
        in_specs=[
            pl.BlockSpec((blk, D), lambda j: (j, 0)),
            pl.BlockSpec((1, 1), lambda j: (0, 0)),
        ],
        out_specs=pl.BlockSpec((blk, D), lambda j: (j, 0)),
        out_shape=jax.ShapeDtypeStruct((NMOLP, D), f32),
    )(embP, S)


def _moltable_body(emb_hbm, adj_hbm, out_hbm, adjb, selfb, neib, outb, sem):
    c = lax.axis_index("c")
    s = lax.axis_index("s")
    w = c * NS + s
    pltpu.sync_copy(adj_hbm.at[pl.ds(w * 512, 512)], adjb)
    pltpu.sync_copy(emb_hbm.at[pl.ds(w * 64, 64)], selfb)
    for q in range(4):
        pltpu.async_copy(
            emb_hbm.at[adjb.at[pl.ds(q * 128, 128)]], neib, sem
        ).wait()

        def item(b16, _):
            b = q * 16 + b16
            for v in range(16):
                sl = pl.ds(v * L, L)
                acc = neib[b16 * 8, sl]
                for jj in range(1, 8):
                    acc = acc + neib[b16 * 8 + jj, sl]
                outb[b, sl] = selfb[b, sl] * 2.0 + acc * 0.125
            return 0

        lax.fori_loop(0, 16, item, 0)
    pltpu.sync_copy(outb, out_hbm.at[pl.ds(w * 64, 64)])


@jax.jit
def _sc_moltable(emb, flatadj):
    return pl.kernel(
        _moltable_body,
        out_type=jax.ShapeDtypeStruct((NMOLP, D), f32),
        mesh=_mesh,
        scratch_types=[
            pltpu.VMEM((512,), i32),
            pltpu.VMEM((64, D), f32),
            pltpu.VMEM((128, D), f32),
            pltpu.VMEM((64, D), f32),
            pltpu.SemaphoreType.DMA,
        ],
        compiler_params=_params,
    )(emb, flatadj)


def _bgather_body(g_hbm, ids_hbm, out_hbm, idsb, gbuf, sem):
    c = lax.axis_index("c")
    s = lax.axis_index("s")
    w = c * NS + s
    pltpu.sync_copy(ids_hbm.at[pl.ds(w * 256, 256)], idsb)
    for q in range(2):
        pltpu.async_copy(
            g_hbm.at[idsb.at[pl.ds(q * 128, 128)]], gbuf, sem
        ).wait()
        pltpu.sync_copy(gbuf, out_hbm.at[pl.ds(w * 256 + q * 128, 128)])


@jax.jit
def _sc_bgather(G, ids):
    return pl.kernel(
        _bgather_body,
        out_type=jax.ShapeDtypeStruct((2 * BATCH, D), f32),
        mesh=_mesh,
        scratch_types=[
            pltpu.VMEM((256,), i32),
            pltpu.VMEM((128, D), f32),
            pltpu.SemaphoreType.DMA,
        ],
        compiler_params=_params,
    )(G, ids)


def kernel(r_id, p_id, r_bond, p_bond, node_feature, edge_index, graph_id,
           adj_graph, bond_feature, W1, b1, W2, b2, rel_para):
    src = edge_index[0].astype(i32)
    dst = edge_index[1].astype(i32)
    pad = jnp.full((NEP - NE,), PADN, i32)
    src2d = jnp.concatenate([src, pad]).reshape(NEP // 128, 128)
    dst2d = jnp.concatenate([dst, pad]).reshape(NEP // 128, 128)
    edges2d = jnp.concatenate([src2d, dst2d], axis=0)
    nf_p = jnp.pad(node_feature.astype(i32), ((0, NP - N), (0, 0)))
    gid1d = jnp.concatenate(
        [graph_id.astype(i32), jnp.full((NP - N,), PADG, i32)]
    )
    flatadj = jnp.pad(
        adj_graph.astype(i32), ((0, NMOLP - NMOL), (0, 0))
    ).reshape(-1)
    ids = jnp.concatenate([r_id, p_id]).astype(i32)

    deg = _sc_degrees(edges2d)
    hT, norms = _tc_hist(nf_p.T, deg.reshape(32, NP))
    P = _sc_agg1(hT.reshape(-1), src2d, dst2d)
    h1T = _tc_l1(P.reshape(F, NP), norms, W1, b1.reshape(1, D))
    A2 = _sc_agg2(h1T.reshape(-1), src2d, dst2d)
    h2T, S = _tc_l2(A2.reshape(D, NP), norms, W2, b2.reshape(1, D))
    embP = _sc_segsum(h2T.reshape(-1), gid1d)
    emb = embP.reshape(32, NMOLP, 8).transpose(1, 0, 2).reshape(NMOLP, D)
    emb = _tc_combine(emb, S)
    G = _sc_moltable(emb, flatadj)
    out = _sc_bgather(G, ids)
    return out[:BATCH], out[BATCH:]

# --- scband reference (transcript-rebuilt; emitter-appended) ---
"""Pipeline reference for scband-csgl-85607288144351 (READ-ONLY COPY).

The authoritative reference and input builder live on the scoring server;
editing this copy changes nothing except your own understanding.
"""

import jax, jax.numpy as jnp
import numpy as np

N_NODES = 10000
N_EDGES = 160000
FEATURE_LEN = 128
DIM = 256
N_MOL = 2000
NEIGHBOR_SIZE = 8
BATCH = 4096


def setup_inputs(seed: int = 0):
    key = jax.random.key(seed)
    ks = jax.random.split(key, 14)
    node_feature = jax.random.randint(ks[0], (N_NODES, 10), 0, FEATURE_LEN)
    edge_index = jnp.stack([
        jax.random.randint(ks[1], (N_EDGES,), 0, N_NODES),
        jax.random.randint(ks[2], (N_EDGES,), 0, N_NODES),
    ], axis=0)
    graph_id = jnp.sort(jax.random.randint(ks[3], (N_NODES,), 0, N_MOL))
    adj_graph = jax.random.randint(ks[4], (N_MOL, NEIGHBOR_SIZE), 0, N_MOL)
    bond_feature = jax.random.randint(ks[5], (N_MOL, 14), 0, 4)
    r_id = jax.random.randint(ks[6], (BATCH,), 0, N_MOL)
    p_id = jax.random.randint(ks[7], (BATCH,), 0, N_MOL)
    r_bond = jax.random.randint(ks[8], (BATCH, 14), 0, 4)
    p_bond = jax.random.randint(ks[9], (BATCH, 14), 0, 4)
    W1 = jax.random.normal(ks[10], (FEATURE_LEN, DIM), dtype=jnp.float32) / np.sqrt(FEATURE_LEN)
    b1 = jnp.zeros((DIM,), dtype=jnp.float32)
    W2 = jax.random.normal(ks[11], (DIM, DIM), dtype=jnp.float32) / np.sqrt(DIM)
    b2 = jnp.zeros((DIM,), dtype=jnp.float32)
    rel_para = jax.random.normal(ks[12], (14, DIM), dtype=jnp.float32)
    return {"r_id": r_id, "p_id": p_id, "r_bond": r_bond, "p_bond": p_bond,
            "node_feature": node_feature, "edge_index": edge_index, "graph_id": graph_id,
            "adj_graph": adj_graph, "bond_feature": bond_feature,
            "W1": W1, "b1": b1, "W2": W2, "b2": b2, "rel_para": rel_para}


def _gcn_layer(h, src, dst, W, b, act):
    out_deg = jnp.zeros((N_NODES,), dtype=h.dtype).at[src].add(1.0)
    in_deg = jnp.zeros((N_NODES,), dtype=h.dtype).at[dst].add(1.0)
    norm_src = jnp.where(out_deg > 0, jax.lax.rsqrt(jnp.maximum(out_deg, 1.0)), 0.0)
    norm_dst = jnp.where(in_deg > 0, jax.lax.rsqrt(jnp.maximum(in_deg, 1.0)), 0.0)
    h = h * norm_src[:, None]
    agg = jnp.zeros_like(h).at[dst].add(h[src])
    agg = agg * norm_dst[:, None]
    out = agg @ W + b
    if act:
        out = jax.nn.relu(out)
    return out


def _low_level(node_feature, edge_index, graph_id, W1, b1, W2, b2):
    # GNN.forward: one-hot node features summed over feature slots
    h = jax.nn.one_hot(node_feature, FEATURE_LEN, dtype=jnp.float32).sum(axis=1)
    src = edge_index[0]
    dst = edge_index[1]
    h = _gcn_layer(h, src, dst, W1, b1, True)
    h = _gcn_layer(h, src, dst, W2, b2, False)
    # factor is a detached python scalar in torch -> stop_gradient
    factor = jnp.sqrt(jnp.float32(DIM)) / jax.lax.stop_gradient(jnp.mean(jnp.linalg.norm(h, axis=1)))
    h = h * factor
    # SumPooling over molecules
    return jax.ops.segment_sum(h, graph_id, num_segments=N_MOL)


def reference(r_id, p_id, r_bond, p_bond, node_feature, edge_index, graph_id,
              adj_graph, bond_feature, W1, b1, W2, b2, rel_para):
    emb = _low_level(node_feature, edge_index, graph_id, W1, b1, W2, b2)
    r_emb = emb[r_id]
    p_emb = emb[p_id]
    r_nei = adj_graph[r_id]
    p_nei = adj_graph[p_id]
    r_nei_emb = emb[r_nei]
    p_nei_emb = emb[p_nei]
    # RelationEmb (computed but unused in output since att=0; kept for faithfulness)
    r_bond_rep = jnp.repeat(r_bond[:, None, :], NEIGHBOR_SIZE, axis=1).reshape(-1, 14)
    p_bond_rep = jnp.repeat(p_bond[:, None, :], NEIGHBOR_SIZE, axis=1).reshape(-1, 14)
    r_nei_bond = bond_feature[r_nei].reshape(-1, 14)
    p_nei_bond = bond_feature[p_nei].reshape(-1, 14)
    rel_para_int = rel_para.astype(jnp.int32)
    r_rel = ((r_bond_rep - r_nei_bond).astype(jnp.int32) @ rel_para_int).reshape(-1, NEIGHBOR_SIZE, DIM)
    p_rel = ((p_bond_rep - p_nei_bond).astype(jnp.int32) @ rel_para_int).reshape(-1, NEIGHBOR_SIZE, DIM)
    # att=0 path: mean-aggregate neighbor embeddings
    r_nei_agg = jnp.sum(r_nei_emb, axis=1) / NEIGHBOR_SIZE
    p_nei_agg = jnp.sum(p_nei_emb, axis=1) / NEIGHBOR_SIZE
    r_emb_1 = r_emb + r_nei_agg
    p_emb_1 = p_emb + p_nei_agg
    # layer_agg='sum'
    final_r = r_emb + r_emb_1
    final_p = p_emb + p_emb_1
    return (final_r, final_p)

if __name__ == "__main__":
    import jax
    _d = setup_inputs()
    print(jax.jit(kernel)(*tuple(_d.values())))

</pallas_src>

<mosaic_0001>
#map = affine_map<(d0, d1) -> (0, 0)>
#map1 = affine_map<(d0, d1) -> (0)>
module attributes {stable_mosaic.version = 14 : i64} {
  func.func @_deg_body(%arg0: i32, %arg1: i32, %arg2: memref<2560x128xi32, #tpu.memory_space<hbm>>, %arg3: memref<327680xf32, #tpu.memory_space<hbm>>, %arg4: memref<80x128xi32, #tpu.memory_space<vmem>>, %arg5: memref<10240xf32, #tpu.memory_space<vmem>>) attributes {dimension_semantics = [#tpu.dimension_semantics<core_parallel>, #tpu.dimension_semantics<subcore_parallel>], iteration_bounds = array<i64: 2, 16>, scalar_prefetch = 0 : i64, scratch_operands = 2 : i64, tpu.core_type = #tpu.core_type<sc_vector_subcore>, window_params = [{transform_indices = #map}, {transform_indices = #map1}]} {
    %scan3A = arith.constant 0 : i32
    %scan3A_0 = arith.constant 0 : i32
    %scan3A_1 = arith.constant 640 : i32
    %scan3A_2 = arith.addi %scan3A_0, %scan3A_1 : i32
    %scan3A_3 = arith.constant 1 : i32
    %scan3A_4 = scf.for %scan3A_22 = %scan3A_0 to %scan3A_2 step %scan3A_3 iter_args(%scan3A_23 = %scan3A) -> (i32)  : i32 {
      %broadcast_in_dim3A_24 = arith.constant 0.000000e+00 : f32
      %broadcast_in_dim3A_25 = vector.broadcast %broadcast_in_dim3A_24 : f32 to vector<16xf32>
      %mul3A_26 = arith.constant 16 : i32
      %mul3A_27 = arith.muli %scan3A_22, %mul3A_26 : i32
      %swap3A = arith.index_cast %mul3A_27 : i32 to index
      %swap3A_28 = tpu.vector_load %arg5[%swap3A] {strides = array<i32>} : memref<10240xf32, #tpu.memory_space<vmem>>, vector<16xf32>,
      tpu.vector_store %arg5[%swap3A], %broadcast_in_dim3A_25 {strides = array<i32>} : memref<10240xf32, #tpu.memory_space<vmem>>, vector<16xf32>,
      %scan3A_29 = arith.constant 0 : i32
      scf.yield %scan3A_29 : i32
    }
    %scan3A_5 = arith.constant 640 : i32
    %mul3A = arith.constant 1280 : i32
    %mul3A_6 = arith.muli %arg0, %mul3A : i32
    %mul3A_7 = arith.constant 80 : i32
    %mul3A_8 = arith.muli %arg1, %mul3A_7 : i32
    %add3A = arith.addi %mul3A_6, %mul3A_8 : i32
    "tpu.region"() ({
      %run_scoped3A = tpu.sem_alloc : memref<!tpu.dma_semaphore, #tpu.memory_space<semaphore_mem>>
      %dma_start3A = arith.constant 0 : i32
      %dma_start3A_22 = tpu.memref_slice %arg2[%add3A, %dma_start3A] : memref<2560x128xi32, #tpu.memory_space<hbm>> -> memref<80x128xi32, #tpu.memory_space<hbm>>
      %dma_start3A_23 = arith.constant 0 : i32
      %dma_start3A_24 = tpu.memref_slice %arg2[%add3A, %dma_start3A_23] : memref<2560x128xi32, #tpu.memory_space<hbm>> -> memref<80x128xi32, #tpu.memory_space<hbm>>
      tpu.enqueue_dma source(%dma_start3A_24 : memref<80x128xi32, #tpu.memory_space<hbm>>) target(%arg4 : memref<80x128xi32, #tpu.memory_space<vmem>>) target_semaphore(%run_scoped3A : memref<!tpu.dma_semaphore, #tpu.memory_space<semaphore_mem>>)
      %dma_wait3A = arith.constant 0 : i32
      %dma_wait3A_25 = tpu.memref_slice %arg2[%add3A, %dma_wait3A] : memref<2560x128xi32, #tpu.memory_space<hbm>> -> memref<80x128xi32, #tpu.memory_space<hbm>>
      %dma_wait3A_26 = arith.constant 0 : i32
      %dma_wait3A_27 = tpu.memref_slice %arg2[%add3A, %dma_wait3A_26] : memref<2560x128xi32, #tpu.memory_space<hbm>> -> memref<80x128xi32, #tpu.memory_space<hbm>>
      tpu.wait_dma2 semaphore(%run_scoped3A : memref<!tpu.dma_semaphore, #tpu.memory_space<semaphore_mem>>) src(%dma_wait3A_27 : memref<80x128xi32, #tpu.memory_space<hbm>>) dst(%arg4 : memref<80x128xi32, #tpu.memory_space<vmem>>)
      tpu.yield
    }) : () -> ()
    %broadcast_in_dim3A = arith.constant 1.000000e+00 : f32
    %broadcast_in_dim3A_9 = vector.broadcast %broadcast_in_dim3A : f32 to vector<16xf32>
    %scan3A_10 = arith.constant 0 : i32
    %scan3A_11 = arith.constant 0 : i32
    %scan3A_12 = arith.constant 80 : i32
    %scan3A_13 = arith.addi %scan3A_11, %scan3A_12 : i32
    %scan3A_14 = arith.constant 1 : i32
    %scan3A_15 = scf.for %scan3A_22 = %scan3A_11 to %scan3A_13 step %scan3A_14 iter_args(%scan3A_23 = %scan3A_10) -> (i32)  : i32 {
      %get3A = arith.index_cast %scan3A_22 : i32 to index
      %get3A_24 = arith.constant 0 : index
      %get3A_25 = tpu.vector_load %arg4[%get3A, %get3A_24] {strides = array<i32>} : memref<80x128xi32, #tpu.memory_space<vmem>>, vector<16xi32>,
      tpu.vector_store_idx %arg5[%get3A_25], %broadcast_in_dim3A_9 {add = true} : memref<10240xf32, #tpu.memory_space<vmem>>[vector<16xi32>], vector<16xf32>,
      %get3A_26 = arith.index_cast %scan3A_22 : i32 to index
      %get3A_27 = arith.constant 16 : index
      %get3A_28 = tpu.vector_load %arg4[%get3A_26, %get3A_27] {strides = array<i32>} : memref<80x128xi32, #tpu.memory_space<vmem>>, vector<16xi32>,
      tpu.vector_store_idx %arg5[%get3A_28], %broadcast_in_dim3A_9 {add = true} : memref<10240xf32, #tpu.memory_space<vmem>>[vector<16xi32>], vector<16xf32>,
      %get3A_29 = arith.index_cast %scan3A_22 : i32 to index
      %get3A_30 = arith.constant 32 : index
      %get3A_31 = tpu.vector_load %arg4[%get3A_29, %get3A_30] {strides = array<i32>} : memref<80x128xi32, #tpu.memory_space<vmem>>, vector<16xi32>,
      tpu.vector_store_idx %arg5[%get3A_31], %broadcast_in_dim3A_9 {add = true} : memref<10240xf32, #tpu.memory_space<vmem>>[vector<16xi32>], vector<16xf32>,
      %get3A_32 = arith.index_cast %scan3A_22 : i32 to index
      %get3A_33 = arith.constant 48 : index
      %get3A_34 = tpu.vector_load %arg4[%get3A_32, %get3A_33] {strides = array<i32>} : memref<80x128xi32, #tpu.memory_space<vmem>>, vector<16xi32>,
      tpu.vector_store_idx %arg5[%get3A_34], %broadcast_in_dim3A_9 {add = true} : memref<10240xf32, #tpu.memory_space<vmem>>[vector<16xi32>], vector<16xf32>,
      %get3A_35 = arith.index_cast %scan3A_22 : i32 to index
      %get3A_36 = arith.constant 64 : index
      %get3A_37 = tpu.vector_load %arg4[%get3A_35, %get3A_36] {strides = array<i32>} : memref<80x128xi32, #tpu.memory_space<vmem>>, vector<16xi32>,
      tpu.vector_store_idx %arg5[%get3A_37], %broadcast_in_dim3A_9 {add = true} : memref<10240xf32, #tpu.memory_space<vmem>>[vector<16xi32>], vector<16xf32>,
      %get3A_38 = arith.index_cast %scan3A_22 : i32 to index
      %get3A_39 = arith.constant 80 : index
      %get3A_40 = tpu.vector_load %arg4[%get3A_38, %get3A_39] {strides = array<i32>} : memref<80x128xi32, #tpu.memory_space<vmem>>, vector<16xi32>,
      tpu.vector_store_idx %arg5[%get3A_40], %broadcast_in_dim3A_9 {add = true} : memref<10240xf32, #tpu.memory_space<vmem>>[vector<16xi32>], vector<16xf32>,
      %get3A_41 = arith.index_cast %scan3A_22 : i32 to index
      %get3A_42 = arith.constant 96 : index
      %get3A_43 = tpu.vector_load %arg4[%get3A_41, %get3A_42] {strides = array<i32>} : memref<80x128xi32, #tpu.memory_space<vmem>>, vector<16xi32>,
      tpu.vector_store_idx %arg5[%get3A_43], %broadcast_in_dim3A_9 {add = true} : memref<10240xf32, #tpu.memory_space<vmem>>[vector<16xi32>], vector<16xf32>,
      %get3A_44 = arith.index_cast %scan3A_22 : i32 to index
      %get3A_45 = arith.constant 112 : index
      %get3A_46 = tpu.vector_load %arg4[%get3A_44, %get3A_45] {strides = array<i32>} : memref<80x128xi32, #tpu.memory_space<vmem>>, vector<16xi32>,
      tpu.vector_store_idx %arg5[%get3A_46], %broadcast_in_dim3A_9 {add = true} : memref<10240xf32, #tpu.memory_space<vmem>>[vector<16xi32>], vector<16xf32>,
      %scan3A_47 = arith.constant 0 : i32
      scf.yield %scan3A_47 : i32
    }
    %scan3A_16 = arith.constant 80 : i32
    %mul3A_17 = arith.constant 16 : i32
    %mul3A_18 = arith.muli %arg0, %mul3A_17 : i32
    %add3A_19 = arith.addi %mul3A_18, %arg1 : i32
    %mul3A_20 = arith.constant 10240 : i32
    %mul3A_21 = arith.muli %add3A_19, %mul3A_20 : i32
    "tpu.region"() ({
      %run_scoped3A = tpu.sem_alloc : memref<!tpu.dma_semaphore, #tpu.memory_space<semaphore_mem>>
      %dma_start3A = tpu.memref_slice %arg3[%mul3A_21] : memref<327680xf32, #tpu.memory_space<hbm>> -> memref<10240xf32, #tpu.memory_space<hbm>>
      %dma_start3A_22 = tpu.memref_slice %arg3[%mul3A_21] : memref<327680xf32, #tpu.memory_space<hbm>> -> memref<10240xf32, #tpu.memory_space<hbm>>
      tpu.enqueue_dma source(%arg5 : memref<10240xf32, #tpu.memory_space<vmem>>) target(%dma_start3A_22 : memref<10240xf32, #tpu.memory_space<hbm>>) target_semaphore(%run_scoped3A : memref<!tpu.dma_semaphore, #tpu.memory_space<semaphore_mem>>)
      %dma_wait3A = tpu.memref_slice %arg3[%mul3A_21] : memref<327680xf32, #tpu.memory_space<hbm>> -> memref<10240xf32, #tpu.memory_space<hbm>>
      %dma_wait3A_23 = tpu.memref_slice %arg3[%mul3A_21] : memref<327680xf32, #tpu.memory_space<hbm>> -> memref<10240xf32, #tpu.memory_space<hbm>>
      tpu.wait_dma2 semaphore(%run_scoped3A : memref<!tpu.dma_semaphore, #tpu.memory_space<semaphore_mem>>) src(%arg5 : memref<10240xf32, #tpu.memory_space<vmem>>) dst(%dma_wait3A_23 : memref<10240xf32, #tpu.memory_space<hbm>>)
      tpu.yield
    }) : () -> ()
    return
  }
}

</mosaic_0001>

<sc_bundles>
// kernel: _sc_degrees.3.cloned.1.call-start
scs
__scs_entry_jumppad:
0x0: {  	(pc) =	sbr.rel $0x88, $3  }
0x1: {  	(tag) =	ssettag $0x0;
	lr =	simm.s32 $0x1  }
0x2: {  	[smem:$0x3FA0] =	sst lr;
	_ =	strace $0xD0000000  }
0x3: {  	_ = 	snop  }
0x4: {  	_ = 	snop  }
0x5: {  	_ = 	snop  }
0x6: {  	_ = 	snop  }
0x7: {  	_ = 	snop  }
__scs_overlays_trampoline_lowered:
0x8: {  	[smem:$0x3FAF] =	sst s0  }
0x9: {  	[smem:$0x3FB0] =	sst s1  }
0xa: {  	[smem:$0x3FB1] =	sst s2  }
0xb: {  	[smem:$0x3FB2] =	sst s3  }
0xc: {  	[smem:$0x3FB3] =	sst s4  }
0xd: {  	[smem:$0x3FB4] =	sst s5  }
0xe: {  	[smem:$0x3FB5] =	sst s6  }
0xf: {  	[smem:$0x3FB6] =	sst s7  }
0x10: {  	[smem:$0x3FB7] =	sst s8  }
0x11: {  	[smem:$0x3FB8] =	sst s9;
	s0 =	simm.s32 @!p0 $0x0  }
0x12: {  	s1 =	sld [smem:$0x3F9E];
	s0 =	simm.s32 @p0 $0x1  }
0x13: {  	[smem:$0x3FB9] =	sst s0;
	s0 =	simm.s32 @!p1 $0x0  }
0x14: {  	s2 =	sld [smem:$0x3F9D];
	s0 =	simm.s32 @p1 $0x1  }
0x15: {  	[smem:$0x3FBA] =	sst s0;
	s0 =	simm.s32 @!p2 $0x0  }
0x16: {  	s3 =	sld [smem:$0x3FDB];
	s0 =	simm.s32 @p2 $0x1  }
0x17: {  	s4 =	simm.s32 $0x1BF5;
	[smem:$0x3FBC] =	sst s0  }
0x18: {  	s0 =	sld [smem:$0x3F9F];
	_ =	swait.ge [sflag:s4], $0x0  }
0x19: {  	s7 =	sld [smem:$0x3FA0]  }
0x1a: {  	s8 =	sadd.s32 $0xFFFFE003, lr  }
0x1b: {  	s9 =	sadd.s32 $0xFFFFFEF7, lr;
	s5 =	simm.s32 $0xFFFFFFFF;
	p2 =	slt.u32 s8, $0xFFFFF086  }
0x1c: {  	p1 =	slt.u32 s9, $0xF7A;
	s5 =	simm.s32 @!p2 $0x0  }
0x1d: {  	s5 =	simm.s32 @p1 $0x1;
	p0 =	seq.s32 s7, s2  }
0x1e: {  	s7 =	smul.u32 @!p0 $0xF7A, s2;
	p2 =	seq.s32 @!p0 s5, $0x0  }
0x1f: {  	s9 =	smul.u32 $0xF7A, s1;
	s8 =	simm.s32 @!p0 $0x1BF5;
	p2 =	por !p2, p0  }
0x20: {  	[sflag:s8] =	ssyncset.s32 @!p0 $0xFFFFF086;
	s6 =	sadd.s32 @!p0 s3, s7;
	s7 =	simm.s32 @!p0 $0x108  }
0x21: {  	s3 =	sadd.s32 s3, s9;
	s6 =	sadd.s32 @!p0 $0x88, s6;
	s7 =	simm.s32 @p2 $0x1082  }
0x22: {  	[simem:s7], [sflag:s8] =	dma.local @!p0 [hbm:s6], $0xF7A  }
0x23: {  	s9 =	sor.u32 $0xD0000000, s2;
	s6 =	simm.s32 $0x108;
	_ =	swait.ge @!p0 [sflag:s8], $0x0  }
0x24: {  	s3 =	sadd.s32 $0x88, s3;
	s6 =	simm.s32 @!p1 $0x1082;
	[sflag:s4] =	ssyncset.s32 $0xFFFFF086  }
0x25: {  	[simem:s6], [sflag:s4] =	dma.local [hbm:s3], $0xF7A  }
0x26: {  	[smem:$0x3FA0] =	sst s1;
	(tag) =	ssettag s2;
	_ =	strace s9  }
0x27: {  	s1 =	sld [smem:$0x3FB0]  }
0x28: {  	s2 =	sld [smem:$0x3FB1]  }
0x29: {  	s4 =	sld [smem:$0x3FB3]  }
0x2a: {  	p0 =	seq.s32 s5, $0x0;
	s5 =	sld [smem:$0x3FB4]  }
0x2b: {  	s6 =	sld [smem:$0x3FB5]  }
0x2c: {  	s7 =	sld [smem:$0x3FB6]  }
0x2d: {  	s3 =	simm.s32 $0x108;
	s8 =	sld [smem:$0x3FB7]  }
0x2e: {  	s3 =	simm.s32 @!p0 $0x1082;
	s9 =	sld [smem:$0x3FB8]  }
0x2f: {  	lr =	sadd.s32 s0, s3;
	s0 =	sld [smem:$0x3FAF]  }
0x30: {  	s3 =	sld [smem:$0x3FB2]  }
0x31: {  	[smem:$0x3FBB] =	sst s10  }
0x32: {  	s10 =	sld [smem:$0x3FB9];
	_ =	sdelay $0x3  }
0x33: {  	p0 =	seq.s32 s10, $0x1;
	s10 =	sld [smem:$0x3FBB];
	_ =	sdelay $0x3  }
0x34: {  	[smem:$0x3FBB] =	sst s10  }
0x35: {  	s10 =	sld [smem:$0x3FBA];
	_ =	sdelay $0x3  }
0x36: {  	p1 =	seq.s32 s10, $0x1;
	s10 =	sld [smem:$0x3FBB];
	_ =	sdelay $0x3  }
0x37: {  	[smem:$0x3FBB] =	sst s10  }
0x38: {  	s10 =	sld [smem:$0x3FBC]  }
0x39: {  	_ = 	snop;
	(pc) =	sbr.ind lr, $3  }
0x3a: {  	_ = 	snop  }
0x3b: {  	_ = 	snop  }
0x3c: {  	p2 =	seq.s32 s10, $0x1;
	s10 =	sld [smem:$0x3FBB]  }
0x3d: {  	_ =	shalt  }
0x3e: {  	_ =	shalt  }
0x3f: {  	_ =	shalt  }
0x40: {  	_ =	shalt  }
0x41: {  	_ =	shalt  }
0x42: {  	_ =	shalt  }
0x43: {  	_ =	shalt  }
0x44: {  	_ =	shalt  }
0x45: {  	_ =	shalt  }
0x46: {  	_ =	shalt  }
0x47: {  	_ =	shalt  }
0x48: {  	_ =	shalt  }
0x49: {  	_ =	shalt  }
0x4a: {  	_ =	shalt  }
0x4b: {  	_ =	shalt  }
0x4c: {  	_ =	shalt  }
0x4d: {  	_ =	shalt  }
0x4e: {  	_ =	shalt  }
0x4f: {  	_ =	shalt  }
0x50: {  	_ =	shalt  }
0x51: {  	_ =	shalt  }
0x52: {  	_ =	shalt  }
0x53: {  	_ =	shalt  }
0x54: {  	_ =	shalt  }
0x55: {  	_ =	shalt  }
0x56: {  	_ =	shalt  }
0x57: {  	_ =	shalt  }
0x58: {  	_ =	shalt  }
0x59: {  	_ =	shalt  }
0x5a: {  	_ =	shalt  }
0x5b: {  	_ =	shalt  }
0x5c: {  	_ =	shalt  }
0x5d: {  	_ =	shalt  }
0x5e: {  	_ =	shalt  }
0x5f: {  	_ =	shalt  }
0x60: {  	_ =	shalt  }
0x61: {  	_ =	shalt  }
0x62: {  	_ =	shalt  }
0x63: {  	_ =	shalt  }
0x64: {  	_ =	shalt  }
0x65: {  	_ =	shalt  }
0x66: {  	_ =	shalt  }
0x67: {  	_ =	shalt  }
0x68: {  	_ =	shalt  }
0x69: {  	_ =	shalt  }
0x6a: {  	_ =	shalt  }
0x6b: {  	_ =	shalt  }
0x6c: {  	_ =	shalt  }
0x6d: {  	_ =	shalt  }
0x6e: {  	_ =	shalt  }
0x6f: {  	_ =	shalt  }
0x70: {  	_ =	shalt  }
0x71: {  	_ =	shalt  }
0x72: {  	_ =	shalt  }
0x73: {  	_ =	shalt  }
0x74: {  	_ =	shalt  }
0x75: {  	_ =	shalt  }
0x76: {  	_ =	shalt  }
0x77: {  	_ =	shalt  }
0x78: {  	_ =	shalt  }
0x79: {  	_ =	shalt  }
0x7a: {  	_ =	shalt  }
0x7b: {  	_ =	shalt  }
0x7c: {  	_ =	shalt  }
0x7d: {  	_ =	shalt  }
0x7e: {  	_ =	shalt  }
0x7f: {  	_ =	shalt  }
0x80: {  	_ =	shalt  }
0x81: {  	_ =	shalt  }
0x82: {  	_ =	shalt  }
0x83: {  	_ =	shalt  }
0x84: {  	_ =	shalt  }
0x85: {  	_ =	shalt  }
0x86: {  	_ =	shalt  }
0x87: {  	_ =	shalt  }
.Lfunc_end0:
.L_simem_size_0:
called_computation_lowered:
.L_overlay_start_0:
0x88: {  	s2 =	sld [smem:$0x3FD9]  }
0x89: {  	s3 =	sld [smem:$0x3FFE];
	_ =	sdelay $0x1  }
0x8a: {  	s1 =	srdreg.scid  }
0x8b: {  	s0 =	sand.u32 $0x1, s1  }
0x8c: {  	s18 =	sshll.u32 s0, $0xA;
	s2 =	sadd.s32 s3, s2  }
0x8d: {  	s2 =	sadd.s32 s2, s18  }
0x8e: {  	[smem:$0x3FC7] =	sst s2  }
0x8f: {  	_ = 	snop  }
0x90: {  	s2 =	sld [smem:$0x3FC9]  }
0x91: {  	s19 =	sld [smem:$0x3FD0];
	(tm) =	ssettm $0x1  }
0x92: {  	s4 =	sld [smem:$0x3FFB];
	_ =	sdelay $0x3  }
0x93: {  	_ =	strace s4  }
0x94: {  	s4 =	sld [smem:$0x3FFC];
	_ =	sdelay $0x3  }
0x95: {  	_ =	strace s4  }
0x96: {  	s4 =	sld [smem:$0x3FFD];
	_ =	sdelay $0x3  }
0x97: {  	_ =	strace s4  }
0x98: {  	_ =	strace $0x8FFFFFFF  }
0x99: {  	s20 =	sld [smem:$0x3FDB];
	_ =	sdelay $0x1  }
0x9a: {  	s5 =	simm.s32 $_scs_section_size  }
0x9b: {  	s6 =	simm.s32 $_size__tile_overlayer_lowered;
	s7 =	simm.s32 $_tile_overlayer_lowered  }
0x9c: {  	s23 =	simm.s32 $0x1BFF;
	s22 =	sshll.u32 s7, $0x1;
	s4 =	sadd.s32 s5, s20  }
0x9d: {  	s8 =	simm.s32 $0x0;
	s21 =	sshll.u32 s6, $0x1;
	s6 =	sadd.s32 s22, s4  }
0x9e: {  	[timem:s8], [sflag:s23] =	dma.local [hbm:s6], s21  }
0x9f: {  	_ =	swait.ge [sflag:s23], s21  }
0xa0: {  	s5 =	ssub.s32 $0x0, s21;
	[sflag:s23] =	ssyncset.done $0x0  }
0xa1: {  	[sflag:s23] =	ssyncadd.s32 s5;
	_ =	sdelay $0x1  }
0xa2: {  	s24 =	simm.s32 $0x1B8B  }
0xa3: {  	_ =	swait.ge [sflag:s24], $0x1  }
0xa4: {  	[sflag:s24] =	ssyncset.done $0x0  }
0xa5: {  	s25 =	simm.s32 $0x1B8E;
	[sflag:s24] =	ssyncadd.s32 $0xFFFFFFFF  }
0xa6: {  	s26 =	simm.s32 $execute0_lowered;
	[smem:$0x3FD2] =	sst s25  }
0xa7: {  	s5 =	sshll.u32 s26, $0x1;
	_ =	strace $0x80000046;
	[dreg:$0x1] =	wrdreg $0xFFFFFFFF  }
0xa8: {  	s28 =	simm.s32 $_size_execute0_lowered;
	s4 =	sadd.s32 s4, s5;
	[dreg:$0x0] =	wrdreg $0x0  }
0xa9: {  	s5 =	sshll.u32 s28, $0x1;
	[dreg:$0x2] =	wrdreg s4  }
0xaa: {  	[dreg:$0x3] =	wrdreg s5  }
0xab: {  	[dreg:$0x4] =	wrdreg $0xC0  }
0xac: {  	_ =	task [dreg:s8], $0x5FFFF  }
0xad: {  	[dreg:$0x1] =	wrdreg $0xFFFFFFFF  }
0xae: {  	[dreg:$0x0] =	wrdreg $0x60  }
0xaf: {  	[dreg:$0x2] =	wrdreg s2  }
0xb0: {  	[dreg:$0x3] =	wrdreg s19  }
0xb1: {  	[dreg:$0x4] =	wrdreg $0x9  }
0xb2: {  	_ =	task.clear_ibuf [dreg:s8], $0x5FFFF;
	_ =	strace $0x90000046  }
0xb3: {  	s29 =	simm.s32 $0x9;
	_ =	strace $0x80000048  }
0xb4: {  	_ =	swait.ge [sflag:s29], $0x1  }
0xb5: {  	[sflag:s29] =	ssyncadd.s32 $0xFFFFFFFF  }
0xb6: {  	_ =	strace $0x90000048  }
0xb7: {  	_ =	sfence  }
0xb8: {  	s30 =	sld [smem:$0x0];
	_ =	sdelay $0x2  }
0xb9: {  	s31 =	sshll.u32 s1, $0xD;
	s1 =	sshrl.u32 s1, $0x2  }
0xba: {  	s3 =	sand.u32 $0x4000, s31;
	s1 =	sadd.s32 s1, s30  }
0xbb: {  	s0 =	sor.u32 s3, s0;
	s1 =	sshll.u32 s1, $0x11  }
0xbc: {  	s0 =	sor.u32 s1, s0  }
0xbd: {  	s0 =	sadd.s32 $0x8F2B, s0  }
0xbe: {  	[sflag:s0] =	ssyncadd.remote.s32 $0x1  }
0xbf: {  	_ =	sfence.sel $0xFFFF  }
0xc0: {  	[dreg:$0x0] =	wrdreg $0xFFFFFFFF;
	(pc) =	sbr.abs _section_cstart, $3  }
0xc1: {  	[dreg:$0x1] =	wrdreg $0xFFFFFFFF  }
0xc2: {  	_ =	task.clear_ibuf [dreg:s8], $0x2FFFF;
	_ =	strace $0x9FFFFFFF  }
0xc3: {  	(tm) =	ssettm $0x7FFFFFFF  }
tec
execute0_lowered:
.L_overlay_start_1:
0x0: {  	(tag) =	ssettag $0x1  }
0x1: {  	s3 =	rddreg [dreg:$0x0]  }
0x2: {  	s4 =	rddreg [dreg:$0x1]  }
0x3: {  	s1 =	srdreg.scid;
	s0 =	rddreg [dreg:$0x2]  }
0x4: {  	s2 =	simm.s32 $0x0;
	s5 =	sand.u32 $0x1, s1;
	s1 =	stileid.u32  }
0x5: {  	[smem:$0x7FF] =	sst s2;
	s6 =	smul.u32 $0x5000, s5  }
0x6: {  	s7 =	sshll.u32 s5, $0x4;
	s5 =	ssub.s32 $0x2, s5;
	s8 =	smul.u32 $0x500, s1  }
0x7: {  	_ =	strace $0x80000047;
	s7 =	sor.u32 s1, s7;
	s9 =	sshrl.u32 s5, $0x1  }
0x8: {  	s7 =	smul.u32 $0x500, s7;
	s5 =	ssub.s32 s5, s9;
	s6 =	sadd.s32 s8, s6  }
0x9: {  	s8 =	simm.s32 $0x0;
	s3 =	sadd.s32 s3, s6;
	s5 =	smax.u32 s5, $0x1  }
0xa: {  	v0 =	vimm.f32 $0.0e+00;
	v1 =	vimm.f32 $1.000000000e+00;
	s6 =	simm.s32 $0x1;
	s4 =	sadd.s32 s4, s7;
	s7 =	simm.s32 $0x2800  }
.LBB2_1:
0xb: {  	s9 =	simm.s32 $0x40;
	s10 =	simm.s32 $0x0  }
.LBB2_2:
0xc: {  	p0 =	sne.s32 s9, $0x9FC0;
	[tilespmem:s10+$0x2800] =	vst v0;
	s10 =	smov.u32 s9;
	s9 =	sadd.s32 $0x40, s9  }
.Ltmp0:
0xd: {  	(pc) =	sbr.rel @p0 .LBB2_2-.Ltmp0, $2  }
0xe: {  	_ =	sdelay $0x2  }
0xf: {  	s10 =	sshra.s32 s10, $0x2  }
0x10: {  	[tilespmem:s10+$0x2800] =	vst v0;
	s9 =	simm.s32 $0x0  }
0x11: {  	[tilespmem:s9], [sflag:$0x1] =	stream.linear.gather [hbm4b:s3+s9], $0x2800, $0x38;
	[tilespmem:$0x5000] =	vst v63  }
0x12: {  	_ =	swait.ge [sflag:s6], $0x2800  }
0x13: {  	[sflag:s6] =	ssyncset.done $0x0  }
0x14: {  	[sflag:s6] =	ssyncadd.s32 $0xFFFFD800  }
.LBB2_4:
0x15: {  	s10 =	sshra.s32 s9, $0x2  }
0x16: {  	v2 =	vld [tilespmem:s10+$0x0];
	_ =	sdelay $0x7  }
0x17: {  	[tilespmem:v2+s7+$0x0] =	vst.idx.add.f32.msk $0xffff, v1  }
0x18: {  	v2 =	vld [tilespmem:s10+$0x10];
	_ =	sdelay $0x7  }
0x19: {  	[tilespmem:v2+s7+$0x0] =	vst.idx.add.f32.msk $0xffff, v1  }
0x1a: {  	v2 =	vld [tilespmem:s10+$0x20];
	_ =	sdelay $0x7  }
0x1b: {  	[tilespmem:v2+s7+$0x0] =	vst.idx.add.f32.msk $0xffff, v1  }
0x1c: {  	v2 =	vld [tilespmem:s10+$0x30];
	_ =	sdelay $0x7  }
0x1d: {  	[tilespmem:v2+s7+$0x0] =	vst.idx.add.f32.msk $0xffff, v1  }
0x1e: {  	v2 =	vld [tilespmem:s10+$0x40];
	_ =	sdelay $0x7  }
0x1f: {  	[tilespmem:v2+s7+$0x0] =	vst.idx.add.f32.msk $0xffff, v1  }
0x20: {  	v2 =	vld [tilespmem:s10+$0x50];
	_ =	sdelay $0x7  }
0x21: {  	[tilespmem:v2+s7+$0x0] =	vst.idx.add.f32.msk $0xffff, v1  }
0x22: {  	v2 =	vld [tilespmem:s10+$0x60];
	_ =	sdelay $0x7  }
0x23: {  	[tilespmem:v2+s7+$0x0] =	vst.idx.add.f32.msk $0xffff, v1  }
0x24: {  	v2 =	vld [tilespmem:s10+$0x70];
	_ =	sdelay $0x2  }
0x25: {  	p0 =	sne.s32 s9, $0x9E00  }
.Ltmp1:
0x26: {  	_ = 	snop;
	(pc) =	sbr.rel @p0 .LBB2_4-.Ltmp1, $2  }
0x27: {  	_ =	sdelay $0x2  }
0x28: {  	s9 =	sadd.s32 $0x200, s9;
	[tilespmem:v2+s7+$0x0] =	vst.idx.add.f32.msk $0xffff, v1  }
0x29: {  	s8 =	sadd.s32 $0x1, s8  }
0x2a: {  	p0 =	sne.s32 s8, s5  }
.Ltmp2:
0x2b: {  	_ = 	snop;
	(pc) =	sbr.rel @p0 .LBB2_1-.Ltmp2, $4  }
0x2c: {  	[hbm4b:s4+s2] =	stream.linear.scatter [tilespmem:s7], [sflag:$0x1], $0x2800, $0x38;
	[tilespmem:$0x5000] =	vst v63  }
0x2d: {  	_ =	swait.ge [sflag:s6], $0x2800  }
0x2e: {  	[sflag:s6] =	ssyncset.done $0x0  }
0x2f: {  	[sflag:s6] =	ssyncadd.s32 $0xFFFFD800  }
0x30: {  	_ =	sfence.sel $0x180000  }
0x31: {  	[bflag:$0x0] =	sbarrier.arrive $0xFFFF  }
0x32: {  	p0 =	sne.s32 s1, $0x0;
	_ =	strace $0x90000047  }
0x33: {  	s0 =	sadd.s32 @!p0 $0x100000, s0;
	[bflag:$0x2] =	sbarrier.arrive $0xFFFF  }
0x34: {  	[sflag:s0] =	ssyncadd.tile.s32 @!p0 $0x1;
	_ =	shalt  }
.Lfunc_end2:
_tile_overlayer_lowered:
.L_overlay_start_2:
0x35: {  	(tag) =	ssettag $0x2  }
0x36: {  	s0 =	rddreg [dreg:$0x0];
	s2 =	stileid.u32  }
0x37: {  	s1 =	rddreg [dreg:$0x1];
	p0 =	sne.s32 s2, $0x0  }
0x38: {  	s3 =	rddreg [dreg:$0x2];
	[bflag:$0x3] =	sbarrier.arrive $0xFFFF;
	s2 =	simm.s32 @!p0 $0x1C01  }
0x39: {  	[timem:s3], [sflag:s2] =	dma.local @!p0 [hbm:s0], s1  }
0x3a: {  	s0 =	simm.s32 @!p0 $0x1  }
0x3b: {  	_ =	swait.ge @!p0 [sflag:s0], s1  }
0x3c: {  	s1 =	ssub.s32 @!p0 $0x0, s1;
	[sflag:s0] =	ssyncset.done @!p0 $0x0  }
0x3d: {  	[sflag:s0] =	ssyncadd.s32 @!p0 s1  }
0x3e: {  	[bflag:$0x3] =	sbarrier.arrive $0xFFFF  }
0x3f: {  	_ =	shalt  }

</sc_bundles>
